<compile_context>
chip_gen: v7x
topology: tpu7x:2x2x1
jax: 0.10.2.dev20260603
libtpu: 0.0.44.dev20260713+nightly
codegen_flags: <defaults>
</compile_context>

<pallas_src>
import jax
import jax.numpy as jnp
from jax import lax
from jax.experimental import pallas as pl
from jax.experimental.pallas import tpu as pltpu
from jax.experimental.pallas import tpu_sc as plsc

VOCAB = 1000
BATCH = 16384

_info = plsc.get_sparse_core_info()
_NC, _NS, _L = _info.num_cores, _info.num_subcores, _info.num_lanes
_NW = _NC * _NS
_COLS_PER_W = BATCH // _NW
CHUNK = 128
_NCHUNK = _COLS_PER_W // CHUNK
_VPC = CHUNK // _L
_ZROWS = 192


def _sc_onehot_t(inp_hbm, lmap_hbm, zeros_hbm, out_hbm, inp_v, lmap_v, buf,
                 zshared, fsem, ssem):
    sid = lax.axis_index("s")
    wid = sid * _NC + lax.axis_index("c")
    base_col = wid * _COLS_PER_W

    @pl.when(sid == 0)
    def _():
        pltpu.sync_copy(zeros_hbm, zshared)

    plsc.subcore_barrier()
    stage = [pltpu.async_copy(inp_hbm.at[pl.ds(base_col, _COLS_PER_W)],
                              inp_v, ssem),
             pltpu.async_copy(lmap_hbm, lmap_v, ssem)]
    fans = []
    for r in range(0, VOCAB, _ZROWS):
        n = min(_ZROWS, VOCAB - r)
        fans.append(pltpu.async_copy(zshared.at[pl.ds(0, n)],
                                     buf.at[pl.ds(r, n)], fsem))
    for h in stage + fans:
        h.wait()

    lane = lax.iota(jnp.int32, _L)
    ones = jnp.full((_L,), 1, jnp.int32)
    zero = jnp.full((_L,), 0, jnp.int32)

    def chunk_body(c, carry):
        ids = []
        for j in range(_VPC):
            raw = inp_v[pl.ds(c * CHUNK + j * _L, _L)]
            ids.append(plsc.load_gather(lmap_v, [raw]))
        for j in range(_VPC):
            plsc.store_scatter(buf, [ids[j], lane + j * _L], ones)
        col = pl.multiple_of(base_col + c * CHUNK, CHUNK)
        pltpu.sync_copy(buf, out_hbm.at[:, pl.ds(col, CHUNK)])
        for j in range(_VPC):
            plsc.store_scatter(buf, [ids[j], lane + j * _L], zero)
        return carry

    lax.fori_loop(0, _NCHUNK, chunk_body, 0)


def kernel(input, label_map):
    zeros = jnp.zeros((_ZROWS, CHUNK), jnp.int32)
    run = pl.kernel(
        _sc_onehot_t,
        out_type=jax.ShapeDtypeStruct((VOCAB, BATCH), jnp.int32),
        mesh=plsc.VectorSubcoreMesh(core_axis_name="c", subcore_axis_name="s"),
        compiler_params=pltpu.CompilerParams(
            needs_layout_passes=False, use_tc_tiling_on_sc=True),
        scratch_types=[
            pltpu.VMEM((_COLS_PER_W,), jnp.int32),
            pltpu.VMEM((VOCAB,), jnp.int32),
            pltpu.VMEM((VOCAB, CHUNK), jnp.int32),
            pltpu.VMEM_SHARED((_ZROWS, CHUNK), jnp.int32),
            pltpu.SemaphoreType.DMA,
            pltpu.SemaphoreType.DMA,
        ],
    )
    return run(input, label_map, zeros).T

# --- scband reference (transcript-rebuilt; emitter-appended) ---
"""Pipeline reference for scband-one-hots-24781961298231 (READ-ONLY COPY).

The authoritative reference and input builder live on the scoring server;
editing this copy changes nothing except your own understanding.
"""

import jax, jax.numpy as jnp
import numpy as np

VOCAB = 1000
BATCH = 16384


def setup_inputs(seed: int = 0) -> dict:
    key = jax.random.key(seed)
    # input: int indices into the label vocab (batch of 16384)
    input_ids = jax.random.randint(key, (BATCH,), 0, VOCAB, dtype=jnp.int32)
    # vocab = dict(enumerate(labels)) with labels = list(range(1000)) is the
    # identity mapping; materialize it as a lookup table for faithfulness.
    label_map = jnp.arange(VOCAB, dtype=jnp.int32)
    return {"input": input_ids, "label_map": label_map}


def reference(input, label_map):
    # ids = [self.vocab[x] for x in input]  -> gather through the vocab table
    ids = jnp.take(label_map, input, axis=0)
    # F.one_hot(ids, num_classes=self.output_size)
    one_hots = jax.nn.one_hot(ids, VOCAB, dtype=jnp.int32)
    return one_hots

if __name__ == "__main__":
    import jax
    _d = setup_inputs()
    print(jax.jit(kernel)(*tuple(_d.values())))

</pallas_src>

<mosaic_0001>
#map = affine_map<(d0, d1) -> (0)>
#map1 = affine_map<(d0, d1) -> (0, 0)>
module attributes {stable_mosaic.version = 14 : i64} {
  func.func @_sc_onehot_t(%arg0: i32, %arg1: i32, %arg2: memref<16384xi32, #tpu.memory_space<hbm>>, %arg3: memref<1000xi32, #tpu.memory_space<hbm>>, %arg4: memref<192x128xi32, #tpu.memory_space<hbm>>, %arg5: memref<1000x16384xi32, #tpu.memory_space<hbm>>, %arg6: memref<512xi32, #tpu.memory_space<vmem>>, %arg7: memref<1000xi32, #tpu.memory_space<vmem>>, %arg8: memref<1000x128xi32, #tpu.memory_space<vmem>>, %arg9: memref<192x128xi32, #tpu.memory_space<vmem_shared>>, %arg10: memref<!tpu.dma_semaphore, #tpu.memory_space<semaphore_mem>>, %arg11: memref<!tpu.dma_semaphore, #tpu.memory_space<semaphore_mem>>) attributes {dimension_semantics = [#tpu.dimension_semantics<core_parallel>, #tpu.dimension_semantics<subcore_parallel>], iteration_bounds = array<i64: 2, 16>, scalar_prefetch = 0 : i64, scratch_operands = 6 : i64, tpu.core_type = #tpu.core_type<sc_vector_subcore>, window_params = [{transform_indices = #map}, {transform_indices = #map}, {transform_indices = #map1}, {transform_indices = #map1}]} {
    %mul3A = arith.constant 2 : i32
    %mul3A_0 = arith.muli %arg1, %mul3A : i32
    %add3A = arith.addi %mul3A_0, %arg0 : i32
    %mul3A_1 = arith.constant 512 : i32
    %mul3A_2 = arith.muli %add3A, %mul3A_1 : i32
    %eq3A = arith.constant 0 : i32
    %eq3A_3 = arith.cmpi eq, %arg1, %eq3A : i32
    %convert_element_type3A = arith.extui %eq3A_3 : i1 to i32
    %cond3A = arith.constant 0 : i32
    %cond3A_4 = arith.cmpi ne, %convert_element_type3A, %cond3A : i32
    scf.if %cond3A_4 {
      "tpu.region"() ({
        %run_scoped3A = tpu.sem_alloc : memref<!tpu.dma_semaphore, #tpu.memory_space<semaphore_mem>>
        tpu.enqueue_dma source(%arg4 : memref<192x128xi32, #tpu.memory_space<hbm>>) target(%arg9 : memref<192x128xi32, #tpu.memory_space<vmem_shared>>) target_semaphore(%run_scoped3A : memref<!tpu.dma_semaphore, #tpu.memory_space<semaphore_mem>>)
        tpu.wait_dma2 semaphore(%run_scoped3A : memref<!tpu.dma_semaphore, #tpu.memory_space<semaphore_mem>>) src(%arg4 : memref<192x128xi32, #tpu.memory_space<hbm>>) dst(%arg9 : memref<192x128xi32, #tpu.memory_space<vmem_shared>>)
        tpu.yield
      }) : () -> ()
    } else {
    }
    %barrier3A = arith.constant 0 : index
    tpu.barrier barrier_id(%barrier3A)
    %dma_start3A = tpu.memref_slice %arg2[%mul3A_2] : memref<16384xi32, #tpu.memory_space<hbm>> -> memref<512xi32, #tpu.memory_space<hbm>>
    %dma_start3A_5 = tpu.memref_slice %arg2[%mul3A_2] : memref<16384xi32, #tpu.memory_space<hbm>> -> memref<512xi32, #tpu.memory_space<hbm>>
    tpu.enqueue_dma source(%dma_start3A_5 : memref<512xi32, #tpu.memory_space<hbm>>) target(%arg6 : memref<512xi32, #tpu.memory_space<vmem>>) target_semaphore(%arg11 : memref<!tpu.dma_semaphore, #tpu.memory_space<semaphore_mem>>)
    tpu.enqueue_dma source(%arg3 : memref<1000xi32, #tpu.memory_space<hbm>>) target(%arg7 : memref<1000xi32, #tpu.memory_space<vmem>>) target_semaphore(%arg11 : memref<!tpu.dma_semaphore, #tpu.memory_space<semaphore_mem>>)
    %dma_start3A_6 = arith.constant 0 : i32
    %dma_start3A_7 = arith.constant 0 : i32
    %dma_start3A_8 = tpu.memref_slice %arg8[%dma_start3A_6, %dma_start3A_7] : memref<1000x128xi32, #tpu.memory_space<vmem>> -> memref<192x128xi32, #tpu.memory_space<vmem>>
    %dma_start3A_9 = arith.constant 0 : i32
    %dma_start3A_10 = arith.constant 0 : i32
    %dma_start3A_11 = tpu.memref_slice %arg9[%dma_start3A_9, %dma_start3A_10] : memref<192x128xi32, #tpu.memory_space<vmem_shared>> -> memref<192x128xi32, #tpu.memory_space<vmem_shared>>
    %dma_start3A_12 = arith.constant 0 : i32
    %dma_start3A_13 = arith.constant 0 : i32
    %dma_start3A_14 = tpu.memref_slice %arg8[%dma_start3A_12, %dma_start3A_13] : memref<1000x128xi32, #tpu.memory_space<vmem>> -> memref<192x128xi32, #tpu.memory_space<vmem>>
    %dma_start3A_15 = arith.constant 0 : i32
    %dma_start3A_16 = arith.constant 0 : i32
    %dma_start3A_17 = tpu.memref_slice %arg9[%dma_start3A_15, %dma_start3A_16] : memref<192x128xi32, #tpu.memory_space<vmem_shared>> -> memref<192x128xi32, #tpu.memory_space<vmem_shared>>
    tpu.enqueue_dma source(%dma_start3A_17 : memref<192x128xi32, #tpu.memory_space<vmem_shared>>) target(%dma_start3A_14 : memref<192x128xi32, #tpu.memory_space<vmem>>) target_semaphore(%arg10 : memref<!tpu.dma_semaphore, #tpu.memory_space<semaphore_mem>>)
    %dma_start3A_18 = arith.constant 192 : i32
    %dma_start3A_19 = arith.constant 0 : i32
    %dma_start3A_20 = tpu.memref_slice %arg8[%dma_start3A_18, %dma_start3A_19] : memref<1000x128xi32, #tpu.memory_space<vmem>> -> memref<192x128xi32, #tpu.memory_space<vmem>>
    %dma_start3A_21 = arith.constant 0 : i32
    %dma_start3A_22 = arith.constant 0 : i32
    %dma_start3A_23 = tpu.memref_slice %arg9[%dma_start3A_21, %dma_start3A_22] : memref<192x128xi32, #tpu.memory_space<vmem_shared>> -> memref<192x128xi32, #tpu.memory_space<vmem_shared>>
    %dma_start3A_24 = arith.constant 192 : i32
    %dma_start3A_25 = arith.constant 0 : i32
    %dma_start3A_26 = tpu.memref_slice %arg8[%dma_start3A_24, %dma_start3A_25] : memref<1000x128xi32, #tpu.memory_space<vmem>> -> memref<192x128xi32, #tpu.memory_space<vmem>>
    %dma_start3A_27 = arith.constant 0 : i32
    %dma_start3A_28 = arith.constant 0 : i32
    %dma_start3A_29 = tpu.memref_slice %arg9[%dma_start3A_27, %dma_start3A_28] : memref<192x128xi32, #tpu.memory_space<vmem_shared>> -> memref<192x128xi32, #tpu.memory_space<vmem_shared>>
    tpu.enqueue_dma source(%dma_start3A_29 : memref<192x128xi32, #tpu.memory_space<vmem_shared>>) target(%dma_start3A_26 : memref<192x128xi32, #tpu.memory_space<vmem>>) target_semaphore(%arg10 : memref<!tpu.dma_semaphore, #tpu.memory_space<semaphore_mem>>)
    %dma_start3A_30 = arith.constant 384 : i32
    %dma_start3A_31 = arith.constant 0 : i32
    %dma_start3A_32 = tpu.memref_slice %arg8[%dma_start3A_30, %dma_start3A_31] : memref<1000x128xi32, #tpu.memory_space<vmem>> -> memref<192x128xi32, #tpu.memory_space<vmem>>
    %dma_start3A_33 = arith.constant 0 : i32
    %dma_start3A_34 = arith.constant 0 : i32
    %dma_start3A_35 = tpu.memref_slice %arg9[%dma_start3A_33, %dma_start3A_34] : memref<192x128xi32, #tpu.memory_space<vmem_shared>> -> memref<192x128xi32, #tpu.memory_space<vmem_shared>>
    %dma_start3A_36 = arith.constant 384 : i32
    %dma_start3A_37 = arith.constant 0 : i32
    %dma_start3A_38 = tpu.memref_slice %arg8[%dma_start3A_36, %dma_start3A_37] : memref<1000x128xi32, #tpu.memory_space<vmem>> -> memref<192x128xi32, #tpu.memory_space<vmem>>
    %dma_start3A_39 = arith.constant 0 : i32
    %dma_start3A_40 = arith.constant 0 : i32
    %dma_start3A_41 = tpu.memref_slice %arg9[%dma_start3A_39, %dma_start3A_40] : memref<192x128xi32, #tpu.memory_space<vmem_shared>> -> memref<192x128xi32, #tpu.memory_space<vmem_shared>>
    tpu.enqueue_dma source(%dma_start3A_41 : memref<192x128xi32, #tpu.memory_space<vmem_shared>>) target(%dma_start3A_38 : memref<192x128xi32, #tpu.memory_space<vmem>>) target_semaphore(%arg10 : memref<!tpu.dma_semaphore, #tpu.memory_space<semaphore_mem>>)
    %dma_start3A_42 = arith.constant 576 : i32
    %dma_start3A_43 = arith.constant 0 : i32
    %dma_start3A_44 = tpu.memref_slice %arg8[%dma_start3A_42, %dma_start3A_43] : memref<1000x128xi32, #tpu.memory_space<vmem>> -> memref<192x128xi32, #tpu.memory_space<vmem>>
    %dma_start3A_45 = arith.constant 0 : i32
    %dma_start3A_46 = arith.constant 0 : i32
    %dma_start3A_47 = tpu.memref_slice %arg9[%dma_start3A_45, %dma_start3A_46] : memref<192x128xi32, #tpu.memory_space<vmem_shared>> -> memref<192x128xi32, #tpu.memory_space<vmem_shared>>
    %dma_start3A_48 = arith.constant 576 : i32
    %dma_start3A_49 = arith.constant 0 : i32
    %dma_start3A_50 = tpu.memref_slice %arg8[%dma_start3A_48, %dma_start3A_49] : memref<1000x128xi32, #tpu.memory_space<vmem>> -> memref<192x128xi32, #tpu.memory_space<vmem>>
    %dma_start3A_51 = arith.constant 0 : i32
    %dma_start3A_52 = arith.constant 0 : i32
    %dma_start3A_53 = tpu.memref_slice %arg9[%dma_start3A_51, %dma_start3A_52] : memref<192x128xi32, #tpu.memory_space<vmem_shared>> -> memref<192x128xi32, #tpu.memory_space<vmem_shared>>
    tpu.enqueue_dma source(%dma_start3A_53 : memref<192x128xi32, #tpu.memory_space<vmem_shared>>) target(%dma_start3A_50 : memref<192x128xi32, #tpu.memory_space<vmem>>) target_semaphore(%arg10 : memref<!tpu.dma_semaphore, #tpu.memory_space<semaphore_mem>>)
    %dma_start3A_54 = arith.constant 768 : i32
    %dma_start3A_55 = arith.constant 0 : i32
    %dma_start3A_56 = tpu.memref_slice %arg8[%dma_start3A_54, %dma_start3A_55] : memref<1000x128xi32, #tpu.memory_space<vmem>> -> memref<192x128xi32, #tpu.memory_space<vmem>>
    %dma_start3A_57 = arith.constant 0 : i32
    %dma_start3A_58 = arith.constant 0 : i32
    %dma_start3A_59 = tpu.memref_slice %arg9[%dma_start3A_57, %dma_start3A_58] : memref<192x128xi32, #tpu.memory_space<vmem_shared>> -> memref<192x128xi32, #tpu.memory_space<vmem_shared>>
    %dma_start3A_60 = arith.constant 768 : i32
    %dma_start3A_61 = arith.constant 0 : i32
    %dma_start3A_62 = tpu.memref_slice %arg8[%dma_start3A_60, %dma_start3A_61] : memref<1000x128xi32, #tpu.memory_space<vmem>> -> memref<192x128xi32, #tpu.memory_space<vmem>>
    %dma_start3A_63 = arith.constant 0 : i32
    %dma_start3A_64 = arith.constant 0 : i32
    %dma_start3A_65 = tpu.memref_slice %arg9[%dma_start3A_63, %dma_start3A_64] : memref<192x128xi32, #tpu.memory_space<vmem_shared>> -> memref<192x128xi32, #tpu.memory_space<vmem_shared>>
    tpu.enqueue_dma source(%dma_start3A_65 : memref<192x128xi32, #tpu.memory_space<vmem_shared>>) target(%dma_start3A_62 : memref<192x128xi32, #tpu.memory_space<vmem>>) target_semaphore(%arg10 : memref<!tpu.dma_semaphore, #tpu.memory_space<semaphore_mem>>)
    %dma_start3A_66 = arith.constant 960 : i32
    %dma_start3A_67 = arith.constant 0 : i32
    %dma_start3A_68 = tpu.memref_slice %arg8[%dma_start3A_66, %dma_start3A_67] : memref<1000x128xi32, #tpu.memory_space<vmem>> -> memref<40x128xi32, #tpu.memory_space<vmem>>
    %dma_start3A_69 = arith.constant 0 : i32
    %dma_start3A_70 = arith.constant 0 : i32
    %dma_start3A_71 = tpu.memref_slice %arg9[%dma_start3A_69, %dma_start3A_70] : memref<192x128xi32, #tpu.memory_space<vmem_shared>> -> memref<40x128xi32, #tpu.memory_space<vmem_shared>>
    %dma_start3A_72 = arith.constant 960 : i32
    %dma_start3A_73 = arith.constant 0 : i32
    %dma_start3A_74 = tpu.memref_slice %arg8[%dma_start3A_72, %dma_start3A_73] : memref<1000x128xi32, #tpu.memory_space<vmem>> -> memref<40x128xi32, #tpu.memory_space<vmem>>
    %dma_start3A_75 = arith.constant 0 : i32
    %dma_start3A_76 = arith.constant 0 : i32
    %dma_start3A_77 = tpu.memref_slice %arg9[%dma_start3A_75, %dma_start3A_76] : memref<192x128xi32, #tpu.memory_space<vmem_shared>> -> memref<40x128xi32, #tpu.memory_space<vmem_shared>>
    tpu.enqueue_dma source(%dma_start3A_77 : memref<40x128xi32, #tpu.memory_space<vmem_shared>>) target(%dma_start3A_74 : memref<40x128xi32, #tpu.memory_space<vmem>>) target_semaphore(%arg10 : memref<!tpu.dma_semaphore, #tpu.memory_space<semaphore_mem>>)
    %dma_wait3A = tpu.memref_slice %arg2[%mul3A_2] : memref<16384xi32, #tpu.memory_space<hbm>> -> memref<512xi32, #tpu.memory_space<hbm>>
    %dma_wait3A_78 = tpu.memref_slice %arg2[%mul3A_2] : memref<16384xi32, #tpu.memory_space<hbm>> -> memref<512xi32, #tpu.memory_space<hbm>>
    tpu.wait_dma2 semaphore(%arg11 : memref<!tpu.dma_semaphore, #tpu.memory_space<semaphore_mem>>) src(%dma_wait3A_78 : memref<512xi32, #tpu.memory_space<hbm>>) dst(%arg6 : memref<512xi32, #tpu.memory_space<vmem>>)
    tpu.wait_dma2 semaphore(%arg11 : memref<!tpu.dma_semaphore, #tpu.memory_space<semaphore_mem>>) src(%arg3 : memref<1000xi32, #tpu.memory_space<hbm>>) dst(%arg7 : memref<1000xi32, #tpu.memory_space<vmem>>)
    %dma_wait3A_79 = arith.constant 0 : i32
    %dma_wait3A_80 = arith.constant 0 : i32
    %dma_wait3A_81 = tpu.memref_slice %arg8[%dma_wait3A_79, %dma_wait3A_80] : memref<1000x128xi32, #tpu.memory_space<vmem>> -> memref<192x128xi32, #tpu.memory_space<vmem>>
    %dma_wait3A_82 = arith.constant 0 : i32
    %dma_wait3A_83 = arith.constant 0 : i32
    %dma_wait3A_84 = tpu.memref_slice %arg9[%dma_wait3A_82, %dma_wait3A_83] : memref<192x128xi32, #tpu.memory_space<vmem_shared>> -> memref<192x128xi32, #tpu.memory_space<vmem_shared>>
    %dma_wait3A_85 = arith.constant 0 : i32
    %dma_wait3A_86 = arith.constant 0 : i32
    %dma_wait3A_87 = tpu.memref_slice %arg8[%dma_wait3A_85, %dma_wait3A_86] : memref<1000x128xi32, #tpu.memory_space<vmem>> -> memref<192x128xi32, #tpu.memory_space<vmem>>
    %dma_wait3A_88 = arith.constant 0 : i32
    %dma_wait3A_89 = arith.constant 0 : i32
    %dma_wait3A_90 = tpu.memref_slice %arg9[%dma_wait3A_88, %dma_wait3A_89] : memref<192x128xi32, #tpu.memory_space<vmem_shared>> -> memref<192x128xi32, #tpu.memory_space<vmem_shared>>
    tpu.wait_dma2 semaphore(%arg10 : memref<!tpu.dma_semaphore, #tpu.memory_space<semaphore_mem>>) src(%dma_wait3A_90 : memref<192x128xi32, #tpu.memory_space<vmem_shared>>) dst(%dma_wait3A_87 : memref<192x128xi32, #tpu.memory_space<vmem>>)
    %dma_wait3A_91 = arith.constant 192 : i32
    %dma_wait3A_92 = arith.constant 0 : i32
    %dma_wait3A_93 = tpu.memref_slice %arg8[%dma_wait3A_91, %dma_wait3A_92] : memref<1000x128xi32, #tpu.memory_space<vmem>> -> memref<192x128xi32, #tpu.memory_space<vmem>>
    %dma_wait3A_94 = arith.constant 0 : i32
    %dma_wait3A_95 = arith.constant 0 : i32
    %dma_wait3A_96 = tpu.memref_slice %arg9[%dma_wait3A_94, %dma_wait3A_95] : memref<192x128xi32, #tpu.memory_space<vmem_shared>> -> memref<192x128xi32, #tpu.memory_space<vmem_shared>>
    %dma_wait3A_97 = arith.constant 192 : i32
    %dma_wait3A_98 = arith.constant 0 : i32
    %dma_wait3A_99 = tpu.memref_slice %arg8[%dma_wait3A_97, %dma_wait3A_98] : memref<1000x128xi32, #tpu.memory_space<vmem>> -> memref<192x128xi32, #tpu.memory_space<vmem>>
    %dma_wait3A_100 = arith.constant 0 : i32
    %dma_wait3A_101 = arith.constant 0 : i32
    %dma_wait3A_102 = tpu.memref_slice %arg9[%dma_wait3A_100, %dma_wait3A_101] : memref<192x128xi32, #tpu.memory_space<vmem_shared>> -> memref<192x128xi32, #tpu.memory_space<vmem_shared>>
    tpu.wait_dma2 semaphore(%arg10 : memref<!tpu.dma_semaphore, #tpu.memory_space<semaphore_mem>>) src(%dma_wait3A_102 : memref<192x128xi32, #tpu.memory_space<vmem_shared>>) dst(%dma_wait3A_99 : memref<192x128xi32, #tpu.memory_space<vmem>>)
    %dma_wait3A_103 = arith.constant 384 : i32
    %dma_wait3A_104 = arith.constant 0 : i32
    %dma_wait3A_105 = tpu.memref_slice %arg8[%dma_wait3A_103, %dma_wait3A_104] : memref<1000x128xi32, #tpu.memory_space<vmem>> -> memref<192x128xi32, #tpu.memory_space<vmem>>
    %dma_wait3A_106 = arith.constant 0 : i32
    %dma_wait3A_107 = arith.constant 0 : i32
    %dma_wait3A_108 = tpu.memref_slice %arg9[%dma_wait3A_106, %dma_wait3A_107] : memref<192x128xi32, #tpu.memory_space<vmem_shared>> -> memref<192x128xi32, #tpu.memory_space<vmem_shared>>
    %dma_wait3A_109 = arith.constant 384 : i32
    %dma_wait3A_110 = arith.constant 0 : i32
    %dma_wait3A_111 = tpu.memref_slice %arg8[%dma_wait3A_109, %dma_wait3A_110] : memref<1000x128xi32, #tpu.memory_space<vmem>> -> memref<192x128xi32, #tpu.memory_space<vmem>>
    %dma_wait3A_112 = arith.constant 0 : i32
    %dma_wait3A_113 = arith.constant 0 : i32
    %dma_wait3A_114 = tpu.memref_slice %arg9[%dma_wait3A_112, %dma_wait3A_113] : memref<192x128xi32, #tpu.memory_space<vmem_shared>> -> memref<192x128xi32, #tpu.memory_space<vmem_shared>>
    tpu.wait_dma2 semaphore(%arg10 : memref<!tpu.dma_semaphore, #tpu.memory_space<semaphore_mem>>) src(%dma_wait3A_114 : memref<192x128xi32, #tpu.memory_space<vmem_shared>>) dst(%dma_wait3A_111 : memref<192x128xi32, #tpu.memory_space<vmem>>)
    %dma_wait3A_115 = arith.constant 576 : i32
    %dma_wait3A_116 = arith.constant 0 : i32
    %dma_wait3A_117 = tpu.memref_slice %arg8[%dma_wait3A_115, %dma_wait3A_116] : memref<1000x128xi32, #tpu.memory_space<vmem>> -> memref<192x128xi32, #tpu.memory_space<vmem>>
    %dma_wait3A_118 = arith.constant 0 : i32
    %dma_wait3A_119 = arith.constant 0 : i32
    %dma_wait3A_120 = tpu.memref_slice %arg9[%dma_wait3A_118, %dma_wait3A_119] : memref<192x128xi32, #tpu.memory_space<vmem_shared>> -> memref<192x128xi32, #tpu.memory_space<vmem_shared>>
    %dma_wait3A_121 = arith.constant 576 : i32
    %dma_wait3A_122 = arith.constant 0 : i32
    %dma_wait3A_123 = tpu.memref_slice %arg8[%dma_wait3A_121, %dma_wait3A_122] : memref<1000x128xi32, #tpu.memory_space<vmem>> -> memref<192x128xi32, #tpu.memory_space<vmem>>
    %dma_wait3A_124 = arith.constant 0 : i32
    %dma_wait3A_125 = arith.constant 0 : i32
    %dma_wait3A_126 = tpu.memref_slice %arg9[%dma_wait3A_124, %dma_wait3A_125] : memref<192x128xi32, #tpu.memory_space<vmem_shared>> -> memref<192x128xi32, #tpu.memory_space<vmem_shared>>
    tpu.wait_dma2 semaphore(%arg10 : memref<!tpu.dma_semaphore, #tpu.memory_space<semaphore_mem>>) src(%dma_wait3A_126 : memref<192x128xi32, #tpu.memory_space<vmem_shared>>) dst(%dma_wait3A_123 : memref<192x128xi32, #tpu.memory_space<vmem>>)
    %dma_wait3A_127 = arith.constant 768 : i32
    %dma_wait3A_128 = arith.constant 0 : i32
    %dma_wait3A_129 = tpu.memref_slice %arg8[%dma_wait3A_127, %dma_wait3A_128] : memref<1000x128xi32, #tpu.memory_space<vmem>> -> memref<192x128xi32, #tpu.memory_space<vmem>>
    %dma_wait3A_130 = arith.constant 0 : i32
    %dma_wait3A_131 = arith.constant 0 : i32
    %dma_wait3A_132 = tpu.memref_slice %arg9[%dma_wait3A_130, %dma_wait3A_131] : memref<192x128xi32, #tpu.memory_space<vmem_shared>> -> memref<192x128xi32, #tpu.memory_space<vmem_shared>>
    %dma_wait3A_133 = arith.constant 768 : i32
    %dma_wait3A_134 = arith.constant 0 : i32
    %dma_wait3A_135 = tpu.memref_slice %arg8[%dma_wait3A_133, %dma_wait3A_134] : memref<1000x128xi32, #tpu.memory_space<vmem>> -> memref<192x128xi32, #tpu.memory_space<vmem>>
    %dma_wait3A_136 = arith.constant 0 : i32
    %dma_wait3A_137 = arith.constant 0 : i32
    %dma_wait3A_138 = tpu.memref_slice %arg9[%dma_wait3A_136, %dma_wait3A_137] : memref<192x128xi32, #tpu.memory_space<vmem_shared>> -> memref<192x128xi32, #tpu.memory_space<vmem_shared>>
    tpu.wait_dma2 semaphore(%arg10 : memref<!tpu.dma_semaphore, #tpu.memory_space<semaphore_mem>>) src(%dma_wait3A_138 : memref<192x128xi32, #tpu.memory_space<vmem_shared>>) dst(%dma_wait3A_135 : memref<192x128xi32, #tpu.memory_space<vmem>>)
    %dma_wait3A_139 = arith.constant 960 : i32
    %dma_wait3A_140 = arith.constant 0 : i32
    %dma_wait3A_141 = tpu.memref_slice %arg8[%dma_wait3A_139, %dma_wait3A_140] : memref<1000x128xi32, #tpu.memory_space<vmem>> -> memref<40x128xi32, #tpu.memory_space<vmem>>
    %dma_wait3A_142 = arith.constant 0 : i32
    %dma_wait3A_143 = arith.constant 0 : i32
    %dma_wait3A_144 = tpu.memref_slice %arg9[%dma_wait3A_142, %dma_wait3A_143] : memref<192x128xi32, #tpu.memory_space<vmem_shared>> -> memref<40x128xi32, #tpu.memory_space<vmem_shared>>
    %dma_wait3A_145 = arith.constant 960 : i32
    %dma_wait3A_146 = arith.constant 0 : i32
    %dma_wait3A_147 = tpu.memref_slice %arg8[%dma_wait3A_145, %dma_wait3A_146] : memref<1000x128xi32, #tpu.memory_space<vmem>> -> memref<40x128xi32, #tpu.memory_space<vmem>>
    %dma_wait3A_148 = arith.constant 0 : i32
    %dma_wait3A_149 = arith.constant 0 : i32
    %dma_wait3A_150 = tpu.memref_slice %arg9[%dma_wait3A_148, %dma_wait3A_149] : memref<192x128xi32, #tpu.memory_space<vmem_shared>> -> memref<40x128xi32, #tpu.memory_space<vmem_shared>>
    tpu.wait_dma2 semaphore(%arg10 : memref<!tpu.dma_semaphore, #tpu.memory_space<semaphore_mem>>) src(%dma_wait3A_150 : memref<40x128xi32, #tpu.memory_space<vmem_shared>>) dst(%dma_wait3A_147 : memref<40x128xi32, #tpu.memory_space<vmem>>)
    %iota3A = tpu.iota {dimensions = array<i32: 0>} : vector<16xi32>
    %broadcast_in_dim3A = arith.constant 1 : i32
    %broadcast_in_dim3A_151 = vector.broadcast %broadcast_in_dim3A : i32 to vector<16xi32>
    %broadcast_in_dim3A_152 = arith.constant 0 : i32
    %broadcast_in_dim3A_153 = vector.broadcast %broadcast_in_dim3A_152 : i32 to vector<16xi32>
    %scan3A = arith.constant 0 : i32
    %scan3A_154 = arith.constant 0 : i32
    %scan3A_155 = arith.constant 4 : i32
    %scan3A_156 = arith.addi %scan3A_154, %scan3A_155 : i32
    %scan3A_157 = arith.constant 1 : i32
    scf.for %scan3A_159 = %scan3A_154 to %scan3A_156 step %scan3A_157  : i32 {
      %mul3A_160 = arith.constant 128 : i32
      %mul3A_161 = arith.muli %scan3A_159, %mul3A_160 : i32
      %add3A_162 = arith.constant 0 : i32
      %add3A_163 = arith.addi %mul3A_161, %add3A_162 : i32
      %get3A = arith.index_cast %add3A_163 : i32 to index
      %get3A_164 = tpu.vector_load %arg6[%get3A] {strides = array<i32>} : memref<512xi32, #tpu.memory_space<vmem>>, vector<16xi32>,
      %gather3A = tpu.vector_load_idx %arg7[%get3A_164] : memref<1000xi32, #tpu.memory_space<vmem>>[vector<16xi32>], vector<16xi32>,
      %mul3A_165 = arith.constant 128 : i32
      %mul3A_166 = arith.muli %scan3A_159, %mul3A_165 : i32
      %add3A_167 = arith.constant 16 : i32
      %add3A_168 = arith.addi %mul3A_166, %add3A_167 : i32
      %get3A_169 = arith.index_cast %add3A_168 : i32 to index
      %get3A_170 = tpu.vector_load %arg6[%get3A_169] {strides = array<i32>} : memref<512xi32, #tpu.memory_space<vmem>>, vector<16xi32>,
      %gather3A_171 = tpu.vector_load_idx %arg7[%get3A_170] : memref<1000xi32, #tpu.memory_space<vmem>>[vector<16xi32>], vector<16xi32>,
      %mul3A_172 = arith.constant 128 : i32
      %mul3A_173 = arith.muli %scan3A_159, %mul3A_172 : i32
      %add3A_174 = arith.constant 32 : i32
      %add3A_175 = arith.addi %mul3A_173, %add3A_174 : i32
      %get3A_176 = arith.index_cast %add3A_175 : i32 to index
      %get3A_177 = tpu.vector_load %arg6[%get3A_176] {strides = array<i32>} : memref<512xi32, #tpu.memory_space<vmem>>, vector<16xi32>,
      %gather3A_178 = tpu.vector_load_idx %arg7[%get3A_177] : memref<1000xi32, #tpu.memory_space<vmem>>[vector<16xi32>], vector<16xi32>,
      %mul3A_179 = arith.constant 128 : i32
      %mul3A_180 = arith.muli %scan3A_159, %mul3A_179 : i32
      %add3A_181 = arith.constant 48 : i32
      %add3A_182 = arith.addi %mul3A_180, %add3A_181 : i32
      %get3A_183 = arith.index_cast %add3A_182 : i32 to index
      %get3A_184 = tpu.vector_load %arg6[%get3A_183] {strides = array<i32>} : memref<512xi32, #tpu.memory_space<vmem>>, vector<16xi32>,
      %gather3A_185 = tpu.vector_load_idx %arg7[%get3A_184] : memref<1000xi32, #tpu.memory_space<vmem>>[vector<16xi32>], vector<16xi32>,
      %mul3A_186 = arith.constant 128 : i32
      %mul3A_187 = arith.muli %scan3A_159, %mul3A_186 : i32
      %add3A_188 = arith.constant 64 : i32
      %add3A_189 = arith.addi %mul3A_187, %add3A_188 : i32
      %get3A_190 = arith.index_cast %add3A_189 : i32 to index
      %get3A_191 = tpu.vector_load %arg6[%get3A_190] {strides = array<i32>} : memref<512xi32, #tpu.memory_space<vmem>>, vector<16xi32>,
      %gather3A_192 = tpu.vector_load_idx %arg7[%get3A_191] : memref<1000xi32, #tpu.memory_space<vmem>>[vector<16xi32>], vector<16xi32>,
      %mul3A_193 = arith.constant 128 : i32
      %mul3A_194 = arith.muli %scan3A_159, %mul3A_193 : i32
      %add3A_195 = arith.constant 80 : i32
      %add3A_196 = arith.addi %mul3A_194, %add3A_195 : i32
      %get3A_197 = arith.index_cast %add3A_196 : i32 to index
      %get3A_198 = tpu.vector_load %arg6[%get3A_197] {strides = array<i32>} : memref<512xi32, #tpu.memory_space<vmem>>, vector<16xi32>,
      %gather3A_199 = tpu.vector_load_idx %arg7[%get3A_198] : memref<1000xi32, #tpu.memory_space<vmem>>[vector<16xi32>], vector<16xi32>,
      %mul3A_200 = arith.constant 128 : i32
      %mul3A_201 = arith.muli %scan3A_159, %mul3A_200 : i32
      %add3A_202 = arith.constant 96 : i32
      %add3A_203 = arith.addi %mul3A_201, %add3A_202 : i32
      %get3A_204 = arith.index_cast %add3A_203 : i32 to index
      %get3A_205 = tpu.vector_load %arg6[%get3A_204] {strides = array<i32>} : memref<512xi32, #tpu.memory_space<vmem>>, vector<16xi32>,
      %gather3A_206 = tpu.vector_load_idx %arg7[%get3A_205] : memref<1000xi32, #tpu.memory_space<vmem>>[vector<16xi32>], vector<16xi32>,
      %mul3A_207 = arith.constant 128 : i32
      %mul3A_208 = arith.muli %scan3A_159, %mul3A_207 : i32
      %add3A_209 = arith.constant 112 : i32
      %add3A_210 = arith.addi %mul3A_208, %add3A_209 : i32
      %get3A_211 = arith.index_cast %add3A_210 : i32 to index
      %get3A_212 = tpu.vector_load %arg6[%get3A_211] {strides = array<i32>} : memref<512xi32, #tpu.memory_space<vmem>>, vector<16xi32>,
      %gather3A_213 = tpu.vector_load_idx %arg7[%get3A_212] : memref<1000xi32, #tpu.memory_space<vmem>>[vector<16xi32>], vector<16xi32>,
      %add3A_214 = arith.constant 0 : i32
      %add3A_215 = vector.broadcast %add3A_214 : i32 to vector<16xi32>
      %add3A_216 = arith.addi %iota3A, %add3A_215 : vector<16xi32>
      tpu.vector_store_idx %arg8[%gather3A, %add3A_216], %broadcast_in_dim3A_151 : memref<1000x128xi32, #tpu.memory_space<vmem>>[vector<16xi32>, vector<16xi32>], vector<16xi32>,
      %add3A_217 = arith.constant 16 : i32
      %add3A_218 = vector.broadcast %add3A_217 : i32 to vector<16xi32>
      %add3A_219 = arith.addi %iota3A, %add3A_218 : vector<16xi32>
      tpu.vector_store_idx %arg8[%gather3A_171, %add3A_219], %broadcast_in_dim3A_151 : memref<1000x128xi32, #tpu.memory_space<vmem>>[vector<16xi32>, vector<16xi32>], vector<16xi32>,
      %add3A_220 = arith.constant 32 : i32
      %add3A_221 = vector.broadcast %add3A_220 : i32 to vector<16xi32>
      %add3A_222 = arith.addi %iota3A, %add3A_221 : vector<16xi32>
      tpu.vector_store_idx %arg8[%gather3A_178, %add3A_222], %broadcast_in_dim3A_151 : memref<1000x128xi32, #tpu.memory_space<vmem>>[vector<16xi32>, vector<16xi32>], vector<16xi32>,
      %add3A_223 = arith.constant 48 : i32
      %add3A_224 = vector.broadcast %add3A_223 : i32 to vector<16xi32>
      %add3A_225 = arith.addi %iota3A, %add3A_224 : vector<16xi32>
      tpu.vector_store_idx %arg8[%gather3A_185, %add3A_225], %broadcast_in_dim3A_151 : memref<1000x128xi32, #tpu.memory_space<vmem>>[vector<16xi32>, vector<16xi32>], vector<16xi32>,
      %add3A_226 = arith.constant 64 : i32
      %add3A_227 = vector.broadcast %add3A_226 : i32 to vector<16xi32>
      %add3A_228 = arith.addi %iota3A, %add3A_227 : vector<16xi32>
      tpu.vector_store_idx %arg8[%gather3A_192, %add3A_228], %broadcast_in_dim3A_151 : memref<1000x128xi32, #tpu.memory_space<vmem>>[vector<16xi32>, vector<16xi32>], vector<16xi32>,
      %add3A_229 = arith.constant 80 : i32
      %add3A_230 = vector.broadcast %add3A_229 : i32 to vector<16xi32>
      %add3A_231 = arith.addi %iota3A, %add3A_230 : vector<16xi32>
      tpu.vector_store_idx %arg8[%gather3A_199, %add3A_231], %broadcast_in_dim3A_151 : memref<1000x128xi32, #tpu.memory_space<vmem>>[vector<16xi32>, vector<16xi32>], vector<16xi32>,
      %add3A_232 = arith.constant 96 : i32
      %add3A_233 = vector.broadcast %add3A_232 : i32 to vector<16xi32>
      %add3A_234 = arith.addi %iota3A, %add3A_233 : vector<16xi32>
      tpu.vector_store_idx %arg8[%gather3A_206, %add3A_234], %broadcast_in_dim3A_151 : memref<1000x128xi32, #tpu.memory_space<vmem>>[vector<16xi32>, vector<16xi32>], vector<16xi32>,
      %add3A_235 = arith.constant 112 : i32
      %add3A_236 = vector.broadcast %add3A_235 : i32 to vector<16xi32>
      %add3A_237 = arith.addi %iota3A, %add3A_236 : vector<16xi32>
      tpu.vector_store_idx %arg8[%gather3A_213, %add3A_237], %broadcast_in_dim3A_151 : memref<1000x128xi32, #tpu.memory_space<vmem>>[vector<16xi32>, vector<16xi32>], vector<16xi32>,
      %mul3A_238 = arith.constant 128 : i32
      %mul3A_239 = arith.muli %scan3A_159, %mul3A_238 : i32
      %add3A_240 = arith.addi %mul3A_2, %mul3A_239 : i32
      %multiple_of3A = tpu.assume_multiple %add3A_240, 128 : i32
      "tpu.region"() ({
        %run_scoped3A = tpu.sem_alloc : memref<!tpu.dma_semaphore, #tpu.memory_space<semaphore_mem>>
        %dma_start3A_265 = arith.constant 0 : i32
        %dma_start3A_266 = tpu.memref_slice %arg5[%dma_start3A_265, %multiple_of3A] : memref<1000x16384xi32, #tpu.memory_space<hbm>> -> memref<1000x128xi32, #tpu.memory_space<hbm>>
        %dma_start3A_267 = arith.constant 0 : i32
        %dma_start3A_268 = tpu.memref_slice %arg5[%dma_start3A_267, %multiple_of3A] : memref<1000x16384xi32, #tpu.memory_space<hbm>> -> memref<1000x128xi32, #tpu.memory_space<hbm>>
        tpu.enqueue_dma source(%arg8 : memref<1000x128xi32, #tpu.memory_space<vmem>>) target(%dma_start3A_268 : memref<1000x128xi32, #tpu.memory_space<hbm>>) target_semaphore(%run_scoped3A : memref<!tpu.dma_semaphore, #tpu.memory_space<semaphore_mem>>)
        %dma_wait3A_269 = arith.constant 0 : i32
        %dma_wait3A_270 = tpu.memref_slice %arg5[%dma_wait3A_269, %multiple_of3A] : memref<1000x16384xi32, #tpu.memory_space<hbm>> -> memref<1000x128xi32, #tpu.memory_space<hbm>>
        %dma_wait3A_271 = arith.constant 0 : i32
        %dma_wait3A_272 = tpu.memref_slice %arg5[%dma_wait3A_271, %multiple_of3A] : memref<1000x16384xi32, #tpu.memory_space<hbm>> -> memref<1000x128xi32, #tpu.memory_space<hbm>>
        tpu.wait_dma2 semaphore(%run_scoped3A : memref<!tpu.dma_semaphore, #tpu.memory_space<semaphore_mem>>) src(%arg8 : memref<1000x128xi32, #tpu.memory_space<vmem>>) dst(%dma_wait3A_272 : memref<1000x128xi32, #tpu.memory_space<hbm>>)
        tpu.yield
      }) : () -> ()
      %add3A_241 = arith.constant 0 : i32
      %add3A_242 = vector.broadcast %add3A_241 : i32 to vector<16xi32>
      %add3A_243 = arith.addi %iota3A, %add3A_242 : vector<16xi32>
      tpu.vector_store_idx %arg8[%gather3A, %add3A_243], %broadcast_in_dim3A_153 : memref<1000x128xi32, #tpu.memory_space<vmem>>[vector<16xi32>, vector<16xi32>], vector<16xi32>,
      %add3A_244 = arith.constant 16 : i32
      %add3A_245 = vector.broadcast %add3A_244 : i32 to vector<16xi32>
      %add3A_246 = arith.addi %iota3A, %add3A_245 : vector<16xi32>
      tpu.vector_store_idx %arg8[%gather3A_171, %add3A_246], %broadcast_in_dim3A_153 : memref<1000x128xi32, #tpu.memory_space<vmem>>[vector<16xi32>, vector<16xi32>], vector<16xi32>,
      %add3A_247 = arith.constant 32 : i32
      %add3A_248 = vector.broadcast %add3A_247 : i32 to vector<16xi32>
      %add3A_249 = arith.addi %iota3A, %add3A_248 : vector<16xi32>
      tpu.vector_store_idx %arg8[%gather3A_178, %add3A_249], %broadcast_in_dim3A_153 : memref<1000x128xi32, #tpu.memory_space<vmem>>[vector<16xi32>, vector<16xi32>], vector<16xi32>,
      %add3A_250 = arith.constant 48 : i32
      %add3A_251 = vector.broadcast %add3A_250 : i32 to vector<16xi32>
      %add3A_252 = arith.addi %iota3A, %add3A_251 : vector<16xi32>
      tpu.vector_store_idx %arg8[%gather3A_185, %add3A_252], %broadcast_in_dim3A_153 : memref<1000x128xi32, #tpu.memory_space<vmem>>[vector<16xi32>, vector<16xi32>], vector<16xi32>,
      %add3A_253 = arith.constant 64 : i32
      %add3A_254 = vector.broadcast %add3A_253 : i32 to vector<16xi32>
      %add3A_255 = arith.addi %iota3A, %add3A_254 : vector<16xi32>
      tpu.vector_store_idx %arg8[%gather3A_192, %add3A_255], %broadcast_in_dim3A_153 : memref<1000x128xi32, #tpu.memory_space<vmem>>[vector<16xi32>, vector<16xi32>], vector<16xi32>,
      %add3A_256 = arith.constant 80 : i32
      %add3A_257 = vector.broadcast %add3A_256 : i32 to vector<16xi32>
      %add3A_258 = arith.addi %iota3A, %add3A_257 : vector<16xi32>
      tpu.vector_store_idx %arg8[%gather3A_199, %add3A_258], %broadcast_in_dim3A_153 : memref<1000x128xi32, #tpu.memory_space<vmem>>[vector<16xi32>, vector<16xi32>], vector<16xi32>,
      %add3A_259 = arith.constant 96 : i32
      %add3A_260 = vector.broadcast %add3A_259 : i32 to vector<16xi32>
      %add3A_261 = arith.addi %iota3A, %add3A_260 : vector<16xi32>
      tpu.vector_store_idx %arg8[%gather3A_206, %add3A_261], %broadcast_in_dim3A_153 : memref<1000x128xi32, #tpu.memory_space<vmem>>[vector<16xi32>, vector<16xi32>], vector<16xi32>,
      %add3A_262 = arith.constant 112 : i32
      %add3A_263 = vector.broadcast %add3A_262 : i32 to vector<16xi32>
      %add3A_264 = arith.addi %iota3A, %add3A_263 : vector<16xi32>
      tpu.vector_store_idx %arg8[%gather3A_213, %add3A_264], %broadcast_in_dim3A_153 : memref<1000x128xi32, #tpu.memory_space<vmem>>[vector<16xi32>, vector<16xi32>], vector<16xi32>,
    }
    %scan3A_158 = arith.constant 4 : i32
    return
  }
}

</mosaic_0001>

<sc_bundles>
// kernel: kernel.3.cloned.1.call-start
scs
__scs_entry_jumppad:
0x0: {  	(pc) =	sbr.rel $0x88, $3  }
0x1: {  	(tag) =	ssettag $0x0;
	lr =	simm.s32 $0x1  }
0x2: {  	[smem:$0x3F9F] =	sst lr;
	_ =	strace $0xD0000000  }
0x3: {  	_ = 	snop  }
0x4: {  	_ = 	snop  }
0x5: {  	_ = 	snop  }
0x6: {  	_ = 	snop  }
0x7: {  	_ = 	snop  }
__scs_overlays_trampoline_lowered:
0x8: {  	[smem:$0x3FAE] =	sst s0  }
0x9: {  	[smem:$0x3FAF] =	sst s1  }
0xa: {  	[smem:$0x3FB0] =	sst s2  }
0xb: {  	[smem:$0x3FB1] =	sst s3  }
0xc: {  	[smem:$0x3FB2] =	sst s4  }
0xd: {  	[smem:$0x3FB3] =	sst s5  }
0xe: {  	[smem:$0x3FB4] =	sst s6  }
0xf: {  	[smem:$0x3FB5] =	sst s7  }
0x10: {  	[smem:$0x3FB6] =	sst s8  }
0x11: {  	[smem:$0x3FB7] =	sst s9;
	s0 =	simm.s32 @!p0 $0x0  }
0x12: {  	s1 =	sld [smem:$0x3F9D];
	s0 =	simm.s32 @p0 $0x1  }
0x13: {  	[smem:$0x3FB8] =	sst s0;
	s0 =	simm.s32 @!p1 $0x0  }
0x14: {  	s2 =	sld [smem:$0x3F9C];
	s0 =	simm.s32 @p1 $0x1  }
0x15: {  	[smem:$0x3FB9] =	sst s0;
	s0 =	simm.s32 @!p2 $0x0  }
0x16: {  	s3 =	sld [smem:$0x3FDB];
	s0 =	simm.s32 @p2 $0x1  }
0x17: {  	s4 =	simm.s32 $0x1BF5;
	[smem:$0x3FBB] =	sst s0  }
0x18: {  	s0 =	sld [smem:$0x3F9E];
	_ =	swait.ge [sflag:s4], $0x0  }
0x19: {  	s7 =	sld [smem:$0x3F9F]  }
0x1a: {  	s8 =	sadd.s32 $0xFFFFE003, lr  }
0x1b: {  	s9 =	sadd.s32 $0xFFFFFEF7, lr;
	s5 =	simm.s32 $0xFFFFFFFF;
	p2 =	slt.u32 s8, $0xFFFFF086  }
0x1c: {  	p1 =	slt.u32 s9, $0xF7A;
	s5 =	simm.s32 @!p2 $0x0  }
0x1d: {  	s5 =	simm.s32 @p1 $0x1;
	p0 =	seq.s32 s7, s2  }
0x1e: {  	s7 =	smul.u32 @!p0 $0xF7A, s2;
	p2 =	seq.s32 @!p0 s5, $0x0  }
0x1f: {  	s9 =	smul.u32 $0xF7A, s1;
	s8 =	simm.s32 @!p0 $0x1BF5;
	p2 =	por !p2, p0  }
0x20: {  	[sflag:s8] =	ssyncset.s32 @!p0 $0xFFFFF086;
	s6 =	sadd.s32 @!p0 s3, s7;
	s7 =	simm.s32 @!p0 $0x108  }
0x21: {  	s3 =	sadd.s32 s3, s9;
	s6 =	sadd.s32 @!p0 $0x88, s6;
	s7 =	simm.s32 @p2 $0x1082  }
0x22: {  	[simem:s7], [sflag:s8] =	dma.local @!p0 [hbm:s6], $0xF7A  }
0x23: {  	s9 =	sor.u32 $0xD0000000, s2;
	s6 =	simm.s32 $0x108;
	_ =	swait.ge @!p0 [sflag:s8], $0x0  }
0x24: {  	s3 =	sadd.s32 $0x88, s3;
	s6 =	simm.s32 @!p1 $0x1082;
	[sflag:s4] =	ssyncset.s32 $0xFFFFF086  }
0x25: {  	[simem:s6], [sflag:s4] =	dma.local [hbm:s3], $0xF7A  }
0x26: {  	[smem:$0x3F9F] =	sst s1;
	(tag) =	ssettag s2;
	_ =	strace s9  }
0x27: {  	s1 =	sld [smem:$0x3FAF]  }
0x28: {  	s2 =	sld [smem:$0x3FB0]  }
0x29: {  	s4 =	sld [smem:$0x3FB2]  }
0x2a: {  	p0 =	seq.s32 s5, $0x0;
	s5 =	sld [smem:$0x3FB3]  }
0x2b: {  	s6 =	sld [smem:$0x3FB4]  }
0x2c: {  	s7 =	sld [smem:$0x3FB5]  }
0x2d: {  	s3 =	simm.s32 $0x108;
	s8 =	sld [smem:$0x3FB6]  }
0x2e: {  	s3 =	simm.s32 @!p0 $0x1082;
	s9 =	sld [smem:$0x3FB7]  }
0x2f: {  	lr =	sadd.s32 s0, s3;
	s0 =	sld [smem:$0x3FAE]  }
0x30: {  	s3 =	sld [smem:$0x3FB1]  }
0x31: {  	[smem:$0x3FBA] =	sst s10  }
0x32: {  	s10 =	sld [smem:$0x3FB8];
	_ =	sdelay $0x3  }
0x33: {  	p0 =	seq.s32 s10, $0x1;
	s10 =	sld [smem:$0x3FBA];
	_ =	sdelay $0x3  }
0x34: {  	[smem:$0x3FBA] =	sst s10  }
0x35: {  	s10 =	sld [smem:$0x3FB9];
	_ =	sdelay $0x3  }
0x36: {  	p1 =	seq.s32 s10, $0x1;
	s10 =	sld [smem:$0x3FBA];
	_ =	sdelay $0x3  }
0x37: {  	[smem:$0x3FBA] =	sst s10  }
0x38: {  	s10 =	sld [smem:$0x3FBB]  }
0x39: {  	_ = 	snop;
	(pc) =	sbr.ind lr, $3  }
0x3a: {  	_ = 	snop  }
0x3b: {  	_ = 	snop  }
0x3c: {  	p2 =	seq.s32 s10, $0x1;
	s10 =	sld [smem:$0x3FBA]  }
0x3d: {  	_ =	shalt  }
0x3e: {  	_ =	shalt  }
0x3f: {  	_ =	shalt  }
0x40: {  	_ =	shalt  }
0x41: {  	_ =	shalt  }
0x42: {  	_ =	shalt  }
0x43: {  	_ =	shalt  }
0x44: {  	_ =	shalt  }
0x45: {  	_ =	shalt  }
0x46: {  	_ =	shalt  }
0x47: {  	_ =	shalt  }
0x48: {  	_ =	shalt  }
0x49: {  	_ =	shalt  }
0x4a: {  	_ =	shalt  }
0x4b: {  	_ =	shalt  }
0x4c: {  	_ =	shalt  }
0x4d: {  	_ =	shalt  }
0x4e: {  	_ =	shalt  }
0x4f: {  	_ =	shalt  }
0x50: {  	_ =	shalt  }
0x51: {  	_ =	shalt  }
0x52: {  	_ =	shalt  }
0x53: {  	_ =	shalt  }
0x54: {  	_ =	shalt  }
0x55: {  	_ =	shalt  }
0x56: {  	_ =	shalt  }
0x57: {  	_ =	shalt  }
0x58: {  	_ =	shalt  }
0x59: {  	_ =	shalt  }
0x5a: {  	_ =	shalt  }
0x5b: {  	_ =	shalt  }
0x5c: {  	_ =	shalt  }
0x5d: {  	_ =	shalt  }
0x5e: {  	_ =	shalt  }
0x5f: {  	_ =	shalt  }
0x60: {  	_ =	shalt  }
0x61: {  	_ =	shalt  }
0x62: {  	_ =	shalt  }
0x63: {  	_ =	shalt  }
0x64: {  	_ =	shalt  }
0x65: {  	_ =	shalt  }
0x66: {  	_ =	shalt  }
0x67: {  	_ =	shalt  }
0x68: {  	_ =	shalt  }
0x69: {  	_ =	shalt  }
0x6a: {  	_ =	shalt  }
0x6b: {  	_ =	shalt  }
0x6c: {  	_ =	shalt  }
0x6d: {  	_ =	shalt  }
0x6e: {  	_ =	shalt  }
0x6f: {  	_ =	shalt  }
0x70: {  	_ =	shalt  }
0x71: {  	_ =	shalt  }
0x72: {  	_ =	shalt  }
0x73: {  	_ =	shalt  }
0x74: {  	_ =	shalt  }
0x75: {  	_ =	shalt  }
0x76: {  	_ =	shalt  }
0x77: {  	_ =	shalt  }
0x78: {  	_ =	shalt  }
0x79: {  	_ =	shalt  }
0x7a: {  	_ =	shalt  }
0x7b: {  	_ =	shalt  }
0x7c: {  	_ =	shalt  }
0x7d: {  	_ =	shalt  }
0x7e: {  	_ =	shalt  }
0x7f: {  	_ =	shalt  }
0x80: {  	_ =	shalt  }
0x81: {  	_ =	shalt  }
0x82: {  	_ =	shalt  }
0x83: {  	_ =	shalt  }
0x84: {  	_ =	shalt  }
0x85: {  	_ =	shalt  }
0x86: {  	_ =	shalt  }
0x87: {  	_ =	shalt  }
.Lfunc_end0:
.L_simem_size_0:
called_computation_lowered:
.L_overlay_start_0:
0x88: {  	s2 =	sld [smem:$0x3FD9]  }
0x89: {  	s3 =	sld [smem:$0x3FFE];
	_ =	sdelay $0x1  }
0x8a: {  	s1 =	srdreg.scid  }
0x8b: {  	s0 =	sand.u32 $0x1, s1  }
0x8c: {  	s17 =	sshll.u32 s0, $0xA;
	s2 =	sadd.s32 s3, s2  }
0x8d: {  	s2 =	sadd.s32 s2, s17  }
0x8e: {  	[smem:$0x3FC6] =	sst s2  }
0x8f: {  	_ = 	snop  }
0x90: {  	s2 =	sld [smem:$0x3FC9]  }
0x91: {  	s18 =	sld [smem:$0x3FC8]  }
0x92: {  	s4 =	sld [smem:$0x3FD0];
	(tm) =	ssettm $0x1  }
0x93: {  	s5 =	sld [smem:$0x3FFB];
	_ =	sdelay $0x3  }
0x94: {  	_ =	strace s5  }
0x95: {  	s5 =	sld [smem:$0x3FFC];
	_ =	sdelay $0x3  }
0x96: {  	_ =	strace s5  }
0x97: {  	s5 =	sld [smem:$0x3FFD];
	_ =	sdelay $0x3  }
0x98: {  	_ =	strace s5  }
0x99: {  	_ =	strace $0x8FFFFFFF  }
0x9a: {  	s19 =	sld [smem:$0x3FDB];
	_ =	sdelay $0x1  }
0x9b: {  	s6 =	simm.s32 $_scs_section_size  }
0x9c: {  	s7 =	simm.s32 $_size__tile_overlayer_lowered;
	s8 =	simm.s32 $_tile_overlayer_lowered  }
0x9d: {  	s22 =	simm.s32 $0x1BFF;
	s21 =	sshll.u32 s8, $0x1;
	s5 =	sadd.s32 s6, s19  }
0x9e: {  	s9 =	simm.s32 $0x0;
	s20 =	sshll.u32 s7, $0x1;
	s7 =	sadd.s32 s21, s5  }
0x9f: {  	[timem:s9], [sflag:s22] =	dma.local [hbm:s7], s20  }
0xa0: {  	_ =	swait.ge [sflag:s22], s20  }
0xa1: {  	s6 =	ssub.s32 $0x0, s20;
	[sflag:s22] =	ssyncset.done $0x0  }
0xa2: {  	[sflag:s22] =	ssyncadd.s32 s6;
	_ =	sdelay $0x1  }
0xa3: {  	s23 =	simm.s32 $0x1B8B  }
0xa4: {  	_ =	swait.ge [sflag:s23], $0x1  }
0xa5: {  	[sflag:s23] =	ssyncset.done $0x0  }
0xa6: {  	s25 =	simm.s32 $0x1B8E;
	s24 =	sld [smem:$0x3FFE];
	[sflag:s23] =	ssyncadd.s32 $0xFFFFFFFF  }
0xa7: {  	s26 =	simm.s32 $execute0_lowered;
	[smem:$0x3FD2] =	sst s25  }
0xa8: {  	s7 =	sshll.u32 s26, $0x1;
	_ =	strace $0x80000046;
	[dreg:$0x1] =	wrdreg $0xFFFFFFFF  }
0xa9: {  	s28 =	simm.s32 $_size_execute0_lowered;
	s5 =	sadd.s32 s5, s7;
	[dreg:$0x0] =	wrdreg $0x0  }
0xaa: {  	s7 =	sshll.u32 s28, $0x1;
	[dreg:$0x2] =	wrdreg s5  }
0xab: {  	[dreg:$0x3] =	wrdreg s7  }
0xac: {  	[dreg:$0x4] =	wrdreg $0xC0  }
0xad: {  	_ =	task [dreg:s9], $0x5FFFF  }
0xae: {  	[dreg:$0x1] =	wrdreg $0xFFFFFFFF  }
0xaf: {  	[dreg:$0x0] =	wrdreg $0x60  }
0xb0: {  	[dreg:$0x2] =	wrdreg s2  }
0xb1: {  	[dreg:$0x3] =	wrdreg s18  }
0xb2: {  	[dreg:$0x4] =	wrdreg s24  }
0xb3: {  	[dreg:$0x5] =	wrdreg s4  }
0xb4: {  	[dreg:$0x6] =	wrdreg $0x1FA000  }
0xb5: {  	[dreg:$0x7] =	wrdreg $0x9  }
0xb6: {  	_ =	task.clear_ibuf [dreg:s9], $0x8FFFF;
	_ =	strace $0x90000046  }
0xb7: {  	s29 =	simm.s32 $0x9;
	_ =	strace $0x80000048  }
0xb8: {  	_ =	swait.ge [sflag:s29], $0x1  }
0xb9: {  	[sflag:s29] =	ssyncadd.s32 $0xFFFFFFFF  }
0xba: {  	_ =	strace $0x90000048  }
0xbb: {  	_ =	sfence  }
0xbc: {  	s30 =	sld [smem:$0x0];
	_ =	sdelay $0x2  }
0xbd: {  	s31 =	sshll.u32 s1, $0xD;
	s1 =	sshrl.u32 s1, $0x2  }
0xbe: {  	s3 =	sand.u32 $0x4000, s31;
	s1 =	sadd.s32 s1, s30  }
0xbf: {  	s0 =	sor.u32 s3, s0;
	s1 =	sshll.u32 s1, $0x11  }
0xc0: {  	s0 =	sor.u32 s1, s0  }
0xc1: {  	s0 =	sadd.s32 $0x8F2B, s0  }
0xc2: {  	[sflag:s0] =	ssyncadd.remote.s32 $0x1  }
0xc3: {  	_ =	sfence.sel $0xFFFF  }
0xc4: {  	[dreg:$0x0] =	wrdreg $0xFFFFFFFF;
	(pc) =	sbr.abs _section_cstart, $3  }
0xc5: {  	[dreg:$0x1] =	wrdreg $0xFFFFFFFF  }
0xc6: {  	_ =	task.clear_ibuf [dreg:s9], $0x2FFFF;
	_ =	strace $0x9FFFFFFF  }
0xc7: {  	(tm) =	ssettm $0x7FFFFFFF  }
tec
execute0_lowered:
.L_overlay_start_1:
0x0: {  	(tag) =	ssettag $0x1  }
0x1: {  	s5 =	rddreg [dreg:$0x0]  }
0x2: {  	s1 =	rddreg [dreg:$0x1]  }
0x3: {  	s4 =	rddreg [dreg:$0x2]  }
0x4: {  	s7 =	rddreg [dreg:$0x3]  }
0x5: {  	s2 =	rddreg [dreg:$0x4];
	s3 =	srdreg.scid  }
0x6: {  	s0 =	rddreg [dreg:$0x5];
	s8 =	stileid.u32;
	s13 =	simm.s32 $0x12600  }
0x7: {  	s14 =	simm.s32 $0x18600;
	s15 =	simm.s32 $0x1E600;
	s16 =	simm.s32 $0x2  }
0x8: {  	s17 =	simm.s32 $0x1;
	s18 =	simm.s32 $0x400;
	s19 =	simm.s32 $0x20000  }
0x9: {  	s20 =	simm.s32 $0x3;
	s21 =	simm.s32 $0x0;
	s6 =	sand.u32 $0x1, s3  }
0xa: {  	s3 =	simm.s32 $0x0;
	s9 =	sshll.u32 s8, $0xA;
	s4 =	sadd.s32 $0x400, s4  }
0xb: {  	p0 =	sne.s32 s8, $0x0;
	s10 =	sshll.u32 s6, $0x9;
	[smem:$0x7FF] =	sst s3  }
0xc: {  	s6 =	ssub.s32 $0x2, s6;
	s7 =	sadd.s32 s9, s7;
	s8 =	sshrl.u32 @!p0 s2, $0x3  }
0xd: {  	v0 =	vlaneseq.u32;
	s11 =	sor.u32 s10, s9;
	_ =	strace $0x80000047;
	s12 =	sshrl.u32 s6, $0x1  }
0xe: {  	v1 =	vimm.s32 $0x1;
	v9 =	vimm.s32 $0x0;
	v2 =	vor.u32 $0x10, v0;
	s7 =	sadd.s32 s10, s7;
	s9 =	simm.s32 $0x200;
	s10 =	simm.s32 $0x600  }
0xf: {  	v3 =	vor.u32 $0x20, v0;
	v4 =	vor.u32 $0x30, v0;
	v5 =	vor.u32 $0x40, v0;
	s11 =	sshrl.u32 s11, $0x3;
	s6 =	ssub.s32 s6, s12;
	s12 =	simm.s32 $0xC600  }
0x10: {  	v6 =	vor.u32 $0x50, v0;
	v7 =	vor.u32 $0x60, v0;
	v8 =	vor.u32 $0x70, v0;
	s5 =	sadd.s32 s5, s11;
	s6 =	smax.u32 s6, $0x1;
	s11 =	simm.s32 $0x6600  }
.LBB2_1:
0x11: {  	s22 =	simm.s32 @!p0 $0x1C03  }
0x12: {  	[spmem:s8], [sflag:s22] =	dma.local @!p0 [hbm:s4], $0xC00  }
0x13: {  	s22 =	simm.s32 @!p0 $0x3  }
0x14: {  	_ =	swait.ge @!p0 [sflag:s22], $0xC00  }
0x15: {  	[sflag:s22] =	ssyncset.done @!p0 $0x0  }
0x16: {  	[sflag:s22] =	ssyncadd.s32 @!p0 $0xFFFFF400  }
0x17: {  	[bflag:$0x0] =	sbarrier.arrive $0xFFFF  }
0x18: {  	[tilespmem:s3], [sflag:$0x2] =	stream.linear.gather [hbm4b:s5+s3], $0x200, $0x38;
	v63 =	vld [tilespmem:$0x0]  }
0x19: {  	_ = 	snop  }
0x1a: {  	[tilespmem:s9], [sflag:$0x2] =	stream.linear.gather [hbm4b:s1+s3], $0x400, $0x38;
	v63 =	vld [tilespmem:$0x0]  }
0x1b: {  	_ = 	snop  }
0x1c: {  	[tilespmem:s10], [sflag:$0x1] =	stream.linear.gather [spmem:s2], $0x6000, $0x38;
	v63 =	vld [tilespmem:$0x0]  }
0x1d: {  	_ = 	snop  }
0x1e: {  	[tilespmem:s11], [sflag:$0x1] =	stream.linear.gather [spmem:s2], $0x6000, $0x38;
	v63 =	vld [tilespmem:$0x0]  }
0x1f: {  	_ = 	snop  }
0x20: {  	[tilespmem:s12], [sflag:$0x1] =	stream.linear.gather [spmem:s2], $0x6000, $0x38;
	v63 =	vld [tilespmem:$0x0]  }
0x21: {  	_ = 	snop  }
0x22: {  	[tilespmem:s13], [sflag:$0x1] =	stream.linear.gather [spmem:s2], $0x6000, $0x38;
	v63 =	vld [tilespmem:$0x0]  }
0x23: {  	_ = 	snop  }
0x24: {  	[tilespmem:s14], [sflag:$0x1] =	stream.linear.gather [spmem:s2], $0x6000, $0x38;
	v63 =	vld [tilespmem:$0x0]  }
0x25: {  	_ = 	snop  }
0x26: {  	[tilespmem:s15], [sflag:$0x1] =	stream.linear.gather [spmem:s2], $0x1400, $0x38;
	v63 =	vld [tilespmem:$0x0]  }
0x27: {  	_ =	swait.ge [sflag:s16], $0x200  }
0x28: {  	[sflag:s16] =	ssyncset.done $0x0  }
0x29: {  	[sflag:s16] =	ssyncadd.s32 $0xFFFFFE00  }
0x2a: {  	_ =	swait.ge [sflag:s16], $0x400  }
0x2b: {  	[sflag:s16] =	ssyncset.done $0x0  }
0x2c: {  	[sflag:s16] =	ssyncadd.s32 $0xFFFFFC00  }
0x2d: {  	_ =	swait.ge [sflag:s17], $0x6000  }
0x2e: {  	[sflag:s17] =	ssyncset.done $0x0  }
0x2f: {  	[sflag:s17] =	ssyncadd.s32 $0xFFFFA000  }
0x30: {  	_ =	swait.ge [sflag:s17], $0x6000  }
0x31: {  	[sflag:s17] =	ssyncset.done $0x0  }
0x32: {  	[sflag:s17] =	ssyncadd.s32 $0xFFFFA000  }
0x33: {  	_ =	swait.ge [sflag:s17], $0x6000  }
0x34: {  	[sflag:s17] =	ssyncset.done $0x0  }
0x35: {  	[sflag:s17] =	ssyncadd.s32 $0xFFFFA000  }
0x36: {  	_ =	swait.ge [sflag:s17], $0x6000  }
0x37: {  	[sflag:s17] =	ssyncset.done $0x0  }
0x38: {  	[sflag:s17] =	ssyncadd.s32 $0xFFFFA000  }
0x39: {  	_ =	swait.ge [sflag:s17], $0x6000  }
0x3a: {  	[sflag:s17] =	ssyncset.done $0x0  }
0x3b: {  	[sflag:s17] =	ssyncadd.s32 $0xFFFFA000  }
0x3c: {  	_ =	swait.ge [sflag:s17], $0x1400  }
0x3d: {  	[sflag:s17] =	ssyncset.done $0x0  }
0x3e: {  	s22 =	simm.s32 $0x40;
	[sflag:s17] =	ssyncadd.s32 $0xFFFFEC00  }
0x3f: {  	v10 =	vld [tilespmem:s22+$0xFFFFFFC0]  }
0x40: {  	v11 =	vld [tilespmem:s22+$0xFFFFFFD0]  }
0x41: {  	v12 =	vld [tilespmem:s22+$0xFFFFFFE0]  }
0x42: {  	v13 =	vld [tilespmem:s22+$0xFFFFFFF0]  }
0x43: {  	v14 =	vld [tilespmem:s22+$0x0]  }
0x44: {  	v15 =	vld [tilespmem:s22+$0x10]  }
0x45: {  	v16 =	vld [tilespmem:s22+$0x20]  }
0x46: {  	v17 =	vld [tilespmem:s22+$0x30]  }
0x47: {  	v10 =	vld.idx.msk [tilespmem:v10+s9+$0x0], $0xffff  }
0x48: {  	v11 =	vld.idx.msk [tilespmem:v11+s9+$0x0], $0xffff  }
0x49: {  	v12 =	vld.idx.msk [tilespmem:v12+s9+$0x0], $0xffff  }
0x4a: {  	v13 =	vld.idx.msk [tilespmem:v13+s9+$0x0], $0xffff  }
0x4b: {  	v14 =	vld.idx.msk [tilespmem:v14+s9+$0x0], $0xffff  }
0x4c: {  	v15 =	vld.idx.msk [tilespmem:v15+s9+$0x0], $0xffff;
	v10 =	vshll.u32 v10, $0x7  }
0x4d: {  	v16 =	vld.idx.msk [tilespmem:v16+s9+$0x0], $0xffff;
	v18 =	vor.u32 v0, v10;
	v10 =	vshll.u32 v11, $0x7  }
0x4e: {  	v11 =	vld.idx.msk [tilespmem:v17+s9+$0x0], $0xffff;
	v62 =	vor.u32 v2, v10;
	v10 =	vshll.u32 v12, $0x7  }
0x4f: {  	v12 =	vor.u32 v3, v10;
	v10 =	vshll.u32 v13, $0x7  }
0x50: {  	v13 =	vor.u32 v4, v10;
	v10 =	vshll.u32 v14, $0x7  }
0x51: {  	v14 =	vor.u32 v5, v10;
	v10 =	vshll.u32 v15, $0x7  }
0x52: {  	[tilespmem:v18+s10+$0x0] =	vst.idx.msk $0xffff, v1;
	v15 =	vor.u32 v6, v10;
	v10 =	vshll.u32 v16, $0x7  }
0x53: {  	[tilespmem:v62+s10+$0x0] =	vst.idx.msk $0xffff, v1;
	v16 =	vor.u32 v7, v10;
	v10 =	vshll.u32 v11, $0x7  }
0x54: {  	[tilespmem:v12+s10+$0x0] =	vst.idx.msk $0xffff, v1;
	v10 =	vor.u32 v8, v10  }
0x55: {  	[tilespmem:v13+s10+$0x0] =	vst.idx.msk $0xffff, v1  }
0x56: {  	[tilespmem:v14+s10+$0x0] =	vst.idx.msk $0xffff, v1  }
0x57: {  	[tilespmem:v15+s10+$0x0] =	vst.idx.msk $0xffff, v1  }
0x58: {  	[tilespmem:v16+s10+$0x0] =	vst.idx.msk $0xffff, v1  }
0x59: {  	s23 =	sadd.s32 $0x0, s7;
	[tilespmem:v10+s10+$0x0] =	vst.idx.msk $0xffff, v1  }
0x5a: {  	[hbm4b:s23+s18] =	stream.strided.scatter [tilespmem:s10], [sflag:$0x3], $0x1F400, s19, s18, $0x38;
	v63 =	vld [tilespmem:$0x0]  }
0x5b: {  	_ =	swait.ge [sflag:s20], $0x1F400  }
0x5c: {  	[sflag:s20] =	ssyncset.done $0x0  }
0x5d: {  	[sflag:s20] =	ssyncadd.s32 $0xFFFE0C00  }
0x5e: {  	[tilespmem:v18+s10+$0x0] =	vst.idx.msk $0xffff, v9  }
0x5f: {  	[tilespmem:v62+s10+$0x0] =	vst.idx.msk $0xffff, v9  }
0x60: {  	[tilespmem:v12+s10+$0x0] =	vst.idx.msk $0xffff, v9  }
0x61: {  	[tilespmem:v13+s10+$0x0] =	vst.idx.msk $0xffff, v9  }
0x62: {  	[tilespmem:v14+s10+$0x0] =	vst.idx.msk $0xffff, v9  }
0x63: {  	[tilespmem:v15+s10+$0x0] =	vst.idx.msk $0xffff, v9  }
0x64: {  	s23 =	simm.s32 $0x80;
	[tilespmem:v16+s10+$0x0] =	vst.idx.msk $0xffff, v9  }
.LBB2_2:
0x65: {  	p1 =	sne.s32 s23, $0x180  }
0x66: {  	[tilespmem:v10+s10+$0x0] =	vst.idx.msk $0xffff, v9;
	s22 =	sadd.s32 $0x80, s22;
	s24 =	smov.u32 s23;
	s23 =	sadd.s32 $0x80, s23  }
0x67: {  	v10 =	vld [tilespmem:s22+$0xFFFFFFC0]  }
0x68: {  	v11 =	vld [tilespmem:s22+$0xFFFFFFD0]  }
0x69: {  	v12 =	vld [tilespmem:s22+$0xFFFFFFE0]  }
0x6a: {  	v13 =	vld [tilespmem:s22+$0xFFFFFFF0]  }
0x6b: {  	v14 =	vld [tilespmem:s22+$0x0]  }
0x6c: {  	v15 =	vld [tilespmem:s22+$0x10]  }
0x6d: {  	v16 =	vld [tilespmem:s22+$0x20]  }
0x6e: {  	v17 =	vld [tilespmem:s22+$0x30]  }
0x6f: {  	v10 =	vld.idx.msk [tilespmem:v10+s9+$0x0], $0xffff  }
0x70: {  	v11 =	vld.idx.msk [tilespmem:v11+s9+$0x0], $0xffff  }
0x71: {  	v12 =	vld.idx.msk [tilespmem:v12+s9+$0x0], $0xffff  }
0x72: {  	v13 =	vld.idx.msk [tilespmem:v13+s9+$0x0], $0xffff  }
0x73: {  	v14 =	vld.idx.msk [tilespmem:v14+s9+$0x0], $0xffff  }
0x74: {  	v15 =	vld.idx.msk [tilespmem:v15+s9+$0x0], $0xffff  }
0x75: {  	v10 =	vshll.u32 v10, $0x7;
	v16 =	vld.idx.msk [tilespmem:v16+s9+$0x0], $0xffff  }
0x76: {  	v18 =	vor.u32 v0, v10;
	v10 =	vshll.u32 v11, $0x7;
	v17 =	vld.idx.msk [tilespmem:v17+s9+$0x0], $0xffff  }
0x77: {  	v11 =	vor.u32 v2, v10;
	v10 =	vshll.u32 v12, $0x7  }
0x78: {  	v12 =	vor.u32 v3, v10;
	v10 =	vshll.u32 v13, $0x7  }
0x79: {  	v13 =	vor.u32 v4, v10;
	v10 =	vshll.u32 v14, $0x7  }
0x7a: {  	v14 =	vor.u32 v5, v10;
	v10 =	vshll.u32 v15, $0x7  }
0x7b: {  	v15 =	vor.u32 v6, v10;
	v10 =	vshll.u32 v16, $0x7;
	[tilespmem:v18+s10+$0x0] =	vst.idx.msk $0xffff, v1  }
0x7c: {  	v16 =	vor.u32 v7, v10;
	v10 =	vshll.u32 v17, $0x7;
	[tilespmem:v11+s10+$0x0] =	vst.idx.msk $0xffff, v1  }
0x7d: {  	v10 =	vor.u32 v8, v10;
	[tilespmem:v12+s10+$0x0] =	vst.idx.msk $0xffff, v1  }
0x7e: {  	[tilespmem:v13+s10+$0x0] =	vst.idx.msk $0xffff, v1  }
0x7f: {  	[tilespmem:v14+s10+$0x0] =	vst.idx.msk $0xffff, v1  }
0x80: {  	[tilespmem:v15+s10+$0x0] =	vst.idx.msk $0xffff, v1  }
0x81: {  	[tilespmem:v16+s10+$0x0] =	vst.idx.msk $0xffff, v1  }
0x82: {  	s24 =	sadd.s32 s24, s7;
	[tilespmem:v10+s10+$0x0] =	vst.idx.msk $0xffff, v1  }
0x83: {  	[hbm4b:s24+s18] =	stream.strided.scatter [tilespmem:s10], [sflag:$0x3], $0x1F400, s19, s18, $0x38;
	v63 =	vld [tilespmem:$0x0]  }
0x84: {  	_ =	swait.ge [sflag:s20], $0x1F400  }
0x85: {  	[sflag:s20] =	ssyncset.done $0x0  }
0x86: {  	[sflag:s20] =	ssyncadd.s32 $0xFFFE0C00  }
0x87: {  	[tilespmem:v18+s10+$0x0] =	vst.idx.msk $0xffff, v9  }
0x88: {  	[tilespmem:v11+s10+$0x0] =	vst.idx.msk $0xffff, v9  }
.Ltmp0:
0x89: {  	[tilespmem:v12+s10+$0x0] =	vst.idx.msk $0xffff, v9;
	(pc) =	sbr.rel @p1 .LBB2_2-.Ltmp0, $4  }
0x8a: {  	[tilespmem:v13+s10+$0x0] =	vst.idx.msk $0xffff, v9  }
0x8b: {  	[tilespmem:v14+s10+$0x0] =	vst.idx.msk $0xffff, v9  }
0x8c: {  	[tilespmem:v15+s10+$0x0] =	vst.idx.msk $0xffff, v9  }
0x8d: {  	[tilespmem:v16+s10+$0x0] =	vst.idx.msk $0xffff, v9  }
0x8e: {  	s21 =	sadd.s32 $0x1, s21  }
0x8f: {  	p1 =	sne.s32 s21, s6  }
.Ltmp1:
0x90: {  	_ = 	snop;
	(pc) =	sbr.rel @p1 .LBB2_1-.Ltmp1, $2  }
0x91: {  	_ =	sdelay $0x2  }
0x92: {  	[tilespmem:v10+s10+$0x0] =	vst.idx.msk $0xffff, v9  }
0x93: {  	_ =	sfence.sel $0x180000  }
0x94: {  	[bflag:$0x0] =	sbarrier.arrive $0xFFFF  }
0x95: {  	_ =	strace $0x90000047  }
0x96: {  	s0 =	sadd.s32 @!p0 $0x100000, s0;
	[bflag:$0x2] =	sbarrier.arrive $0xFFFF  }
0x97: {  	[sflag:s0] =	ssyncadd.tile.s32 @!p0 $0x1;
	_ =	shalt  }
.Lfunc_end2:
_tile_overlayer_lowered:
.L_overlay_start_2:
0x98: {  	(tag) =	ssettag $0x2  }
0x99: {  	s0 =	rddreg [dreg:$0x0];
	s2 =	stileid.u32  }
0x9a: {  	s1 =	rddreg [dreg:$0x1];
	p0 =	sne.s32 s2, $0x0  }
0x9b: {  	s3 =	rddreg [dreg:$0x2];
	[bflag:$0x3] =	sbarrier.arrive $0xFFFF;
	s2 =	simm.s32 @!p0 $0x1C03  }
0x9c: {  	[timem:s3], [sflag:s2] =	dma.local @!p0 [hbm:s0], s1  }
0x9d: {  	s0 =	simm.s32 @!p0 $0x3  }
0x9e: {  	_ =	swait.ge @!p0 [sflag:s0], s1  }
0x9f: {  	s1 =	ssub.s32 @!p0 $0x0, s1;
	[sflag:s0] =	ssyncset.done @!p0 $0x0  }
0xa0: {  	[sflag:s0] =	ssyncadd.s32 @!p0 s1  }
0xa1: {  	[bflag:$0x3] =	sbarrier.arrive $0xFFFF  }
0xa2: {  	_ =	shalt  }

</sc_bundles>
